<compile_context>
chip_gen: v7x
topology: tpu7x:2x2x1
jax: 0.10.2.dev20260603
libtpu: 0.0.44.dev20260713+nightly
codegen_flags: <defaults>
</compile_context>

<pallas_src>
import functools

import jax
import jax.numpy as jnp
from jax import lax
from jax.experimental import pallas as pl
from jax.experimental.pallas import tpu as pltpu
from jax.experimental.pallas import tpu_sc as plsc

H = 1024
W = 1024
K = 2000
EPS2D = 1e-5
BORDER = 3


def _shift_down(x, fill=0.0):
    return jnp.concatenate([jnp.full((1, W), fill, x.dtype), x[:-1, :]], axis=0)


def _shift_up(x, fill=0.0):
    return jnp.concatenate([x[1:, :], jnp.full((1, W), fill, x.dtype)], axis=0)


def _shift_right(x, fill=0.0):
    return jnp.concatenate([jnp.full((H, 1), fill, x.dtype), x[:, :-1]], axis=1)


def _shift_left(x, fill=0.0):
    return jnp.concatenate([x[:, 1:], jnp.full((H, 1), fill, x.dtype)], axis=1)


def _nms_soft_body(low_ref, cur_ref, high_ref, nr_ref, z_ref, y_ref, x_ref):
    low = low_ref[...]
    cur = cur_ref[...]
    high = high_ref[...]

    t = low + cur + high
    zc = 0.5 * (cur - low) + 1.5 * high

    t_h = _shift_right(t) + t + _shift_left(t)
    zc_h = _shift_right(zc) + zc + _shift_left(zc)

    den = _shift_down(t_h) + t_h + _shift_up(t_h) + 1e-8
    num_z = _shift_down(zc_h) + zc_h + _shift_up(zc_h)
    num_y = -0.5 * _shift_down(t_h) + 0.5 * t_h + 1.5 * _shift_up(t_h)
    t_v = _shift_down(t) + t + _shift_up(t)
    num_x = -0.5 * _shift_right(t_v) + 0.5 * t_v + 1.5 * _shift_left(t_v)

    inv_den = 1.0 / den
    rows_i = jax.lax.broadcasted_iota(jnp.int32, (H, W), 0)
    cols_i = jax.lax.broadcasted_iota(jnp.int32, (H, W), 1)
    rows = rows_i.astype(jnp.float32)
    cols = cols_i.astype(jnp.float32)
    z_ref[...] = num_z * inv_den
    y_ref[...] = (num_y * inv_den + rows) * (1.0 / float(H))
    x_ref[...] = (num_x * inv_den + cols) * (1.0 / float(W))

    mh = jnp.maximum(jnp.maximum(_shift_right(cur), cur), _shift_left(cur))
    lm = jnp.maximum(jnp.maximum(_shift_down(mh), mh), _shift_up(mh))

    keep = (cur - lm + EPS2D > 0) & (cur > low) & (cur > high)
    inside = (
        (rows_i >= BORDER) & (rows_i < H - BORDER)
        & (cols_i >= BORDER) & (cols_i < W - BORDER)
    )
    nr_ref[...] = jnp.where(keep & inside, cur, 0.0)


_NW = 32
_NSEL = 2048
_PERW = _NSEL // _NW


def _sc_gather3(idx_hbm, zmap_hbm, ymap_hbm, xmap_hbm,
                z_out, y_out, x_out, idx_v, zv, yv, xv, sem):
    wid = lax.axis_index("s") * 2 + lax.axis_index("c")
    base = wid * _PERW
    pltpu.sync_copy(idx_hbm.at[pl.ds(base, _PERW)], idx_v)
    pltpu.async_copy(zmap_hbm.at[idx_v], zv, sem).wait()
    pltpu.async_copy(ymap_hbm.at[idx_v], yv, sem).wait()
    pltpu.async_copy(xmap_hbm.at[idx_v], xv, sem).wait()
    pltpu.sync_copy(zv, z_out.at[pl.ds(base, _PERW)])
    pltpu.sync_copy(yv, y_out.at[pl.ds(base, _PERW)])
    pltpu.sync_copy(xv, x_out.at[pl.ds(base, _PERW)])


_gather_call = functools.partial(
    pl.kernel,
    mesh=plsc.VectorSubcoreMesh(core_axis_name="c", subcore_axis_name="s"),
    out_type=[jax.ShapeDtypeStruct((_NSEL,), jnp.float32)] * 3,
    scratch_types=[
        pltpu.VMEM((_PERW,), jnp.int32),
        pltpu.VMEM((_PERW,), jnp.float32),
        pltpu.VMEM((_PERW,), jnp.float32),
        pltpu.VMEM((_PERW,), jnp.float32),
        pltpu.SemaphoreType.DMA,
    ],
)(_sc_gather3)


@jax.jit
def _run(low, cur, high):
    low2 = low.reshape(H, W)
    cur2 = cur.reshape(H, W)
    high2 = high.reshape(H, W)

    out_shape = [jax.ShapeDtypeStruct((H, W), jnp.float32)] * 4
    nr, zmap, ymap, xmap = pl.pallas_call(
        _nms_soft_body,
        out_shape=out_shape,
    )(low2, cur2, high2)

    nrb = nr.reshape(512, 2048)
    vals_r, cols_r = jax.lax.top_k(nrb, 32)
    rbase = jax.lax.broadcasted_iota(jnp.int32, (512, 32), 0) * 2048
    cand_vals = vals_r.reshape(-1)
    cand_idx = (rbase + cols_r).reshape(-1)
    topk_val, pos = jax.lax.top_k(cand_vals, K)
    idx = cand_idx[pos]
    idx_pad = jnp.concatenate([idx, jnp.zeros((_NSEL - K,), jnp.int32)])
    zg, yg, xg = _gather_call(
        idx_pad, zmap.reshape(-1), ymap.reshape(-1), xmap.reshape(-1))
    z = zg[:K]
    ysc = yg[:K]
    xsc = xg[:K]

    zd = z * (1.0 / float(min(H, W)))
    zero = jnp.zeros_like(zd)
    row0 = jnp.stack([zd, zero, xsc], axis=1)
    row1 = jnp.stack([zero, zd, ysc], axis=1)
    full_a = jnp.stack([row0, row1], axis=1)
    return topk_val, full_a


def kernel(low, cur, high, num_feats):
    del num_feats
    return _run(low, cur, high)

# --- scband reference (transcript-rebuilt; emitter-appended) ---
"""Pipeline reference for scband-nms3d-and-compose-a-1949915152762 (READ-ONLY COPY).

The authoritative reference and input builder live on the scoring server;
editing this copy changes nothing except your own understanding.
"""

import jax, jax.numpy as jnp
import numpy as np

H, W = 1024, 1024
MR_SIZE = 1.0
BORDER = 3
EPS2D = 1e-5


def _generate_2dgrid(h, w, centered=True):
    if centered:
        x = np.linspace(-w / 2 + 1, w / 2, w)
        y = np.linspace(-h / 2 + 1, h / 2, h)
    else:
        x = np.linspace(0, w - 1, w)
        y = np.linspace(0, h - 1, h)
    yy = np.repeat(y, w)
    xx = np.tile(x, h)
    return np.stack([yy, xx], axis=1).astype(np.float32)


def _generate_3dgrid(d, h, w):
    if not isinstance(d, list):
        z = np.linspace(-d / 2 + 1, d / 2, d).astype(np.float32)
    else:
        z = np.array(d, dtype=np.float32)
    dl = len(z)
    grid2d = _generate_2dgrid(h, w, centered=True)
    zcol = np.repeat(z, h * w).reshape(-1, 1)
    grid3d = np.concatenate([zcol, np.tile(grid2d, (dl, 1))], axis=1)
    return grid3d


GRID_W = jnp.asarray(_generate_3dgrid(3, 3, 3).T.reshape(3, 3, 3, 3))
GRID_ONES = jnp.ones((3, 3, 3, 3), dtype=jnp.float32)


def _conv2d(x, w):
    return jax.lax.conv_general_dilated(
        x, w, window_strides=(1, 1), padding=((1, 1), (1, 1)),
        dimension_numbers=('NCHW', 'OIHW', 'NCHW'))


def _maxpool3(x):
    return jax.lax.reduce_window(
        x, -jnp.inf, jax.lax.max,
        (1, 1, 3, 3), (1, 1, 1, 1),
        ((0, 0), (0, 0), (1, 1), (1, 1)))


def _nms2d(x):
    # threshold=0 < eps branch of NMS2d
    lm = _maxpool3(x)
    return (x - lm + EPS2D > 0).astype(jnp.float32) * x


def setup_inputs(seed: int = 0) -> dict:
    key = jax.random.key(seed)
    k1, k2, k3 = jax.random.split(key, 3)
    low = jax.random.uniform(k1, (1, 1, H, W), dtype=jnp.float32)
    cur = jax.random.uniform(k2, (1, 1, H, W), dtype=jnp.float32)
    high = jax.random.uniform(k3, (1, 1, H, W), dtype=jnp.float32)
    return {"low": low, "cur": cur, "high": high, "num_feats": 2000}


def reference(low, cur, high, num_feats):
    h, w = cur.shape[2], cur.shape[3]
    sg = jnp.asarray(_generate_2dgrid(h, w, centered=False)).reshape(h, w, 2).transpose(2, 0, 1)
    resp3d = jnp.concatenate([low, cur, high], axis=1)
    soft = _conv2d(resp3d, GRID_W) / (_conv2d(resp3d, GRID_ONES) + 1e-8)
    soft = soft.at[0, 1:, :, :].add(sg)
    sc_y_x = soft.reshape(3, -1).T
    nr = _nms2d(cur) * ((cur > low) & (cur > high)).astype(jnp.float32)
    b = BORDER
    nr = nr.at[:, :, 0:b, :].set(0.0)
    nr = nr.at[:, :, h - b:, :].set(0.0)
    nr = nr.at[:, :, :, 0:b].set(0.0)
    nr = nr.at[:, :, :, w - b:].set(0.0)
    flat = nr.reshape(-1)
    flat = flat + jnp.zeros((), dtype=flat.dtype) * jnp.asarray(num_feats).astype(flat.dtype)
    k = max(1, min(2000, flat.shape[0]))
    topk_val, idxs = jax.lax.top_k(flat, k)
    sct = sc_y_x[idxs, :]
    sct = sct.at[:, 1].divide(float(h))
    sct = sct.at[:, 2].divide(float(w))
    min_size = float(min(h, w))
    base_A = MR_SIZE * jnp.eye(2, dtype=jnp.float32)[None, :, :] / min_size
    A = sct[:, 0][:, None, None] * base_A
    last_col = jnp.concatenate([sct[:, 2:3, None], sct[:, 1:2, None]], axis=1)
    full_A = jnp.concatenate([jnp.broadcast_to(A, (k, 2, 2)), last_col], axis=2)
    return (topk_val, full_A)

if __name__ == "__main__":
    import jax
    _d = setup_inputs()
    print(jax.jit(kernel)(*tuple(_d.values())))

</pallas_src>

<mosaic_0001>
#map = affine_map<(d0, d1) -> (0)>
module attributes {stable_mosaic.version = 14 : i64} {
  func.func @_sc_gather3(%arg0: i32, %arg1: i32, %arg2: memref<2048xi32, #tpu.memory_space<hbm>>, %arg3: memref<1048576xf32, #tpu.memory_space<hbm>>, %arg4: memref<1048576xf32, #tpu.memory_space<hbm>>, %arg5: memref<1048576xf32, #tpu.memory_space<hbm>>, %arg6: memref<2048xf32, #tpu.memory_space<hbm>>, %arg7: memref<2048xf32, #tpu.memory_space<hbm>>, %arg8: memref<2048xf32, #tpu.memory_space<hbm>>, %arg9: memref<64xi32, #tpu.memory_space<vmem>>, %arg10: memref<64xf32, #tpu.memory_space<vmem>>, %arg11: memref<64xf32, #tpu.memory_space<vmem>>, %arg12: memref<64xf32, #tpu.memory_space<vmem>>, %arg13: memref<!tpu.dma_semaphore, #tpu.memory_space<semaphore_mem>>) attributes {dimension_semantics = [#tpu.dimension_semantics<core_parallel>, #tpu.dimension_semantics<subcore_parallel>], iteration_bounds = array<i64: 2, 16>, scalar_prefetch = 0 : i64, scratch_operands = 5 : i64, tpu.core_type = #tpu.core_type<sc_vector_subcore>, window_params = [{transform_indices = #map}, {transform_indices = #map}, {transform_indices = #map}, {transform_indices = #map}, {transform_indices = #map}, {transform_indices = #map}, {transform_indices = #map}]} {
    %mul3A = arith.constant 2 : i32
    %mul3A_0 = arith.muli %arg1, %mul3A : i32
    %add3A = arith.addi %mul3A_0, %arg0 : i32
    %mul3A_1 = arith.constant 64 : i32
    %mul3A_2 = arith.muli %add3A, %mul3A_1 : i32
    "tpu.region"() ({
      %run_scoped3A = tpu.sem_alloc : memref<!tpu.dma_semaphore, #tpu.memory_space<semaphore_mem>>
      %dma_start3A_13 = tpu.memref_slice %arg2[%mul3A_2] : memref<2048xi32, #tpu.memory_space<hbm>> -> memref<64xi32, #tpu.memory_space<hbm>>
      %dma_start3A_14 = tpu.memref_slice %arg2[%mul3A_2] : memref<2048xi32, #tpu.memory_space<hbm>> -> memref<64xi32, #tpu.memory_space<hbm>>
      tpu.enqueue_dma source(%dma_start3A_14 : memref<64xi32, #tpu.memory_space<hbm>>) target(%arg9 : memref<64xi32, #tpu.memory_space<vmem>>) target_semaphore(%run_scoped3A : memref<!tpu.dma_semaphore, #tpu.memory_space<semaphore_mem>>)
      %dma_wait3A_15 = tpu.memref_slice %arg2[%mul3A_2] : memref<2048xi32, #tpu.memory_space<hbm>> -> memref<64xi32, #tpu.memory_space<hbm>>
      %dma_wait3A_16 = tpu.memref_slice %arg2[%mul3A_2] : memref<2048xi32, #tpu.memory_space<hbm>> -> memref<64xi32, #tpu.memory_space<hbm>>
      tpu.wait_dma2 semaphore(%run_scoped3A : memref<!tpu.dma_semaphore, #tpu.memory_space<semaphore_mem>>) src(%dma_wait3A_16 : memref<64xi32, #tpu.memory_space<hbm>>) dst(%arg9 : memref<64xi32, #tpu.memory_space<vmem>>)
      tpu.yield
    }) : () -> ()
    %dma_start3A = arith.constant 0 : i32
    %dma_start3A_3 = tpu.memref_slice %arg3[%dma_start3A] : memref<1048576xf32, #tpu.memory_space<hbm>> -> memref<1048576xf32, #tpu.memory_space<hbm>>
    tpu.enqueue_indirect_dma source(%dma_start3A_3 : memref<1048576xf32, #tpu.memory_space<hbm>>) target(%arg10 : memref<64xf32, #tpu.memory_space<vmem>>) offsets(%arg9 : memref<64xi32, #tpu.memory_space<vmem>>) semaphore(%arg13 : memref<!tpu.dma_semaphore, #tpu.memory_space<semaphore_mem>>)
    %dma_wait3A = arith.constant 0 : i32
    %dma_wait3A_4 = tpu.memref_slice %arg3[%dma_wait3A] : memref<1048576xf32, #tpu.memory_space<hbm>> -> memref<1048576xf32, #tpu.memory_space<hbm>>
    tpu.wait_indirect_dma semaphore(%arg13 : memref<!tpu.dma_semaphore, #tpu.memory_space<semaphore_mem>>) src(%dma_wait3A_4 : memref<1048576xf32, #tpu.memory_space<hbm>>) dst(%arg10 : memref<64xf32, #tpu.memory_space<vmem>>)
    %dma_start3A_5 = arith.constant 0 : i32
    %dma_start3A_6 = tpu.memref_slice %arg4[%dma_start3A_5] : memref<1048576xf32, #tpu.memory_space<hbm>> -> memref<1048576xf32, #tpu.memory_space<hbm>>
    tpu.enqueue_indirect_dma source(%dma_start3A_6 : memref<1048576xf32, #tpu.memory_space<hbm>>) target(%arg11 : memref<64xf32, #tpu.memory_space<vmem>>) offsets(%arg9 : memref<64xi32, #tpu.memory_space<vmem>>) semaphore(%arg13 : memref<!tpu.dma_semaphore, #tpu.memory_space<semaphore_mem>>)
    %dma_wait3A_7 = arith.constant 0 : i32
    %dma_wait3A_8 = tpu.memref_slice %arg4[%dma_wait3A_7] : memref<1048576xf32, #tpu.memory_space<hbm>> -> memref<1048576xf32, #tpu.memory_space<hbm>>
    tpu.wait_indirect_dma semaphore(%arg13 : memref<!tpu.dma_semaphore, #tpu.memory_space<semaphore_mem>>) src(%dma_wait3A_8 : memref<1048576xf32, #tpu.memory_space<hbm>>) dst(%arg11 : memref<64xf32, #tpu.memory_space<vmem>>)
    %dma_start3A_9 = arith.constant 0 : i32
    %dma_start3A_10 = tpu.memref_slice %arg5[%dma_start3A_9] : memref<1048576xf32, #tpu.memory_space<hbm>> -> memref<1048576xf32, #tpu.memory_space<hbm>>
    tpu.enqueue_indirect_dma source(%dma_start3A_10 : memref<1048576xf32, #tpu.memory_space<hbm>>) target(%arg12 : memref<64xf32, #tpu.memory_space<vmem>>) offsets(%arg9 : memref<64xi32, #tpu.memory_space<vmem>>) semaphore(%arg13 : memref<!tpu.dma_semaphore, #tpu.memory_space<semaphore_mem>>)
    %dma_wait3A_11 = arith.constant 0 : i32
    %dma_wait3A_12 = tpu.memref_slice %arg5[%dma_wait3A_11] : memref<1048576xf32, #tpu.memory_space<hbm>> -> memref<1048576xf32, #tpu.memory_space<hbm>>
    tpu.wait_indirect_dma semaphore(%arg13 : memref<!tpu.dma_semaphore, #tpu.memory_space<semaphore_mem>>) src(%dma_wait3A_12 : memref<1048576xf32, #tpu.memory_space<hbm>>) dst(%arg12 : memref<64xf32, #tpu.memory_space<vmem>>)
    "tpu.region"() ({
      %run_scoped3A = tpu.sem_alloc : memref<!tpu.dma_semaphore, #tpu.memory_space<semaphore_mem>>
      %dma_start3A_13 = tpu.memref_slice %arg6[%mul3A_2] : memref<2048xf32, #tpu.memory_space<hbm>> -> memref<64xf32, #tpu.memory_space<hbm>>
      %dma_start3A_14 = tpu.memref_slice %arg6[%mul3A_2] : memref<2048xf32, #tpu.memory_space<hbm>> -> memref<64xf32, #tpu.memory_space<hbm>>
      tpu.enqueue_dma source(%arg10 : memref<64xf32, #tpu.memory_space<vmem>>) target(%dma_start3A_14 : memref<64xf32, #tpu.memory_space<hbm>>) target_semaphore(%run_scoped3A : memref<!tpu.dma_semaphore, #tpu.memory_space<semaphore_mem>>)
      %dma_wait3A_15 = tpu.memref_slice %arg6[%mul3A_2] : memref<2048xf32, #tpu.memory_space<hbm>> -> memref<64xf32, #tpu.memory_space<hbm>>
      %dma_wait3A_16 = tpu.memref_slice %arg6[%mul3A_2] : memref<2048xf32, #tpu.memory_space<hbm>> -> memref<64xf32, #tpu.memory_space<hbm>>
      tpu.wait_dma2 semaphore(%run_scoped3A : memref<!tpu.dma_semaphore, #tpu.memory_space<semaphore_mem>>) src(%arg10 : memref<64xf32, #tpu.memory_space<vmem>>) dst(%dma_wait3A_16 : memref<64xf32, #tpu.memory_space<hbm>>)
      tpu.yield
    }) : () -> ()
    "tpu.region"() ({
      %run_scoped3A = tpu.sem_alloc : memref<!tpu.dma_semaphore, #tpu.memory_space<semaphore_mem>>
      %dma_start3A_13 = tpu.memref_slice %arg7[%mul3A_2] : memref<2048xf32, #tpu.memory_space<hbm>> -> memref<64xf32, #tpu.memory_space<hbm>>
      %dma_start3A_14 = tpu.memref_slice %arg7[%mul3A_2] : memref<2048xf32, #tpu.memory_space<hbm>> -> memref<64xf32, #tpu.memory_space<hbm>>
      tpu.enqueue_dma source(%arg11 : memref<64xf32, #tpu.memory_space<vmem>>) target(%dma_start3A_14 : memref<64xf32, #tpu.memory_space<hbm>>) target_semaphore(%run_scoped3A : memref<!tpu.dma_semaphore, #tpu.memory_space<semaphore_mem>>)
      %dma_wait3A_15 = tpu.memref_slice %arg7[%mul3A_2] : memref<2048xf32, #tpu.memory_space<hbm>> -> memref<64xf32, #tpu.memory_space<hbm>>
      %dma_wait3A_16 = tpu.memref_slice %arg7[%mul3A_2] : memref<2048xf32, #tpu.memory_space<hbm>> -> memref<64xf32, #tpu.memory_space<hbm>>
      tpu.wait_dma2 semaphore(%run_scoped3A : memref<!tpu.dma_semaphore, #tpu.memory_space<semaphore_mem>>) src(%arg11 : memref<64xf32, #tpu.memory_space<vmem>>) dst(%dma_wait3A_16 : memref<64xf32, #tpu.memory_space<hbm>>)
      tpu.yield
    }) : () -> ()
    "tpu.region"() ({
      %run_scoped3A = tpu.sem_alloc : memref<!tpu.dma_semaphore, #tpu.memory_space<semaphore_mem>>
      %dma_start3A_13 = tpu.memref_slice %arg8[%mul3A_2] : memref<2048xf32, #tpu.memory_space<hbm>> -> memref<64xf32, #tpu.memory_space<hbm>>
      %dma_start3A_14 = tpu.memref_slice %arg8[%mul3A_2] : memref<2048xf32, #tpu.memory_space<hbm>> -> memref<64xf32, #tpu.memory_space<hbm>>
      tpu.enqueue_dma source(%arg12 : memref<64xf32, #tpu.memory_space<vmem>>) target(%dma_start3A_14 : memref<64xf32, #tpu.memory_space<hbm>>) target_semaphore(%run_scoped3A : memref<!tpu.dma_semaphore, #tpu.memory_space<semaphore_mem>>)
      %dma_wait3A_15 = tpu.memref_slice %arg8[%mul3A_2] : memref<2048xf32, #tpu.memory_space<hbm>> -> memref<64xf32, #tpu.memory_space<hbm>>
      %dma_wait3A_16 = tpu.memref_slice %arg8[%mul3A_2] : memref<2048xf32, #tpu.memory_space<hbm>> -> memref<64xf32, #tpu.memory_space<hbm>>
      tpu.wait_dma2 semaphore(%run_scoped3A : memref<!tpu.dma_semaphore, #tpu.memory_space<semaphore_mem>>) src(%arg12 : memref<64xf32, #tpu.memory_space<vmem>>) dst(%dma_wait3A_16 : memref<64xf32, #tpu.memory_space<hbm>>)
      tpu.yield
    }) : () -> ()
    return
  }
}

module attributes {stable_mosaic.version = 14 : i64} {
  func.func @_nms_soft_body(%arg0: memref<1024x1024xf32, #tpu.memory_space<vmem>>, %arg1: memref<1024x1024xf32, #tpu.memory_space<vmem>>, %arg2: memref<1024x1024xf32, #tpu.memory_space<vmem>>, %arg3: memref<1024x1024xf32, #tpu.memory_space<vmem>>, %arg4: memref<1024x1024xf32, #tpu.memory_space<vmem>>, %arg5: memref<1024x1024xf32, #tpu.memory_space<vmem>>, %arg6: memref<1024x1024xf32, #tpu.memory_space<vmem>>) attributes {dimension_semantics = [], scalar_prefetch = 0 : i64, scratch_operands = 0 : i64, tpu.core_type = #tpu.core_type<tc>} {
    %get3A = arith.constant 0 : index
    %get3A_0 = arith.constant 0 : index
    %get3A_1 = vector.load %arg0[%get3A, %get3A_0] : memref<1024x1024xf32, #tpu.memory_space<vmem>>, vector<1024x1024xf32>
    %get3A_2 = arith.constant 0 : index
    %get3A_3 = arith.constant 0 : index
    %get3A_4 = vector.load %arg1[%get3A_2, %get3A_3] : memref<1024x1024xf32, #tpu.memory_space<vmem>>, vector<1024x1024xf32>
    %get3A_5 = arith.constant 0 : index
    %get3A_6 = arith.constant 0 : index
    %get3A_7 = vector.load %arg2[%get3A_5, %get3A_6] : memref<1024x1024xf32, #tpu.memory_space<vmem>>, vector<1024x1024xf32>
    %add3A = arith.addf %get3A_1, %get3A_4 : vector<1024x1024xf32>
    %add3A_8 = arith.addf %add3A, %get3A_7 : vector<1024x1024xf32>
    %sub3A = arith.subf %get3A_4, %get3A_1 : vector<1024x1024xf32>
    %mul3A = arith.constant 5.000000e-01 : f32
    %mul3A_9 = vector.broadcast %mul3A : f32 to vector<1024x1024xf32>
    %mul3A_10 = arith.mulf %mul3A_9, %sub3A : vector<1024x1024xf32>
    %mul3A_11 = arith.constant 1.500000e+00 : f32
    %mul3A_12 = vector.broadcast %mul3A_11 : f32 to vector<1024x1024xf32>
    %mul3A_13 = arith.mulf %mul3A_12, %get3A_7 : vector<1024x1024xf32>
    %add3A_14 = arith.addf %mul3A_10, %mul3A_13 : vector<1024x1024xf32>
    %broadcast_in_dim3A = arith.constant 0.000000e+00 : f32
    %broadcast_in_dim3A_15 = vector.broadcast %broadcast_in_dim3A : f32 to vector<1024x1xf32>
    %slice3A = vector.extract_strided_slice %add3A_8 {offsets = [0, 0], sizes = [1024, 1023], strides = [1, 1]} : vector<1024x1024xf32> to vector<1024x1023xf32>
    %concatenate3A = tpu.concatenate %broadcast_in_dim3A_15, %slice3A in 1 : vector<1024x1xf32>, vector<1024x1023xf32> -> vector<1024x1024xf32>
    %add3A_16 = arith.addf %concatenate3A, %add3A_8 : vector<1024x1024xf32>
    %slice3A_17 = vector.extract_strided_slice %add3A_8 {offsets = [0, 1], sizes = [1024, 1023], strides = [1, 1]} : vector<1024x1024xf32> to vector<1024x1023xf32>
    %broadcast_in_dim3A_18 = arith.constant 0.000000e+00 : f32
    %broadcast_in_dim3A_19 = vector.broadcast %broadcast_in_dim3A_18 : f32 to vector<1024x1xf32>
    %concatenate3A_20 = tpu.concatenate %slice3A_17, %broadcast_in_dim3A_19 in 1 : vector<1024x1023xf32>, vector<1024x1xf32> -> vector<1024x1024xf32>
    %add3A_21 = arith.addf %add3A_16, %concatenate3A_20 : vector<1024x1024xf32>
    %broadcast_in_dim3A_22 = arith.constant 0.000000e+00 : f32
    %broadcast_in_dim3A_23 = vector.broadcast %broadcast_in_dim3A_22 : f32 to vector<1024x1xf32>
    %slice3A_24 = vector.extract_strided_slice %add3A_14 {offsets = [0, 0], sizes = [1024, 1023], strides = [1, 1]} : vector<1024x1024xf32> to vector<1024x1023xf32>
    %concatenate3A_25 = tpu.concatenate %broadcast_in_dim3A_23, %slice3A_24 in 1 : vector<1024x1xf32>, vector<1024x1023xf32> -> vector<1024x1024xf32>
    %add3A_26 = arith.addf %concatenate3A_25, %add3A_14 : vector<1024x1024xf32>
    %slice3A_27 = vector.extract_strided_slice %add3A_14 {offsets = [0, 1], sizes = [1024, 1023], strides = [1, 1]} : vector<1024x1024xf32> to vector<1024x1023xf32>
    %broadcast_in_dim3A_28 = arith.constant 0.000000e+00 : f32
    %broadcast_in_dim3A_29 = vector.broadcast %broadcast_in_dim3A_28 : f32 to vector<1024x1xf32>
    %concatenate3A_30 = tpu.concatenate %slice3A_27, %broadcast_in_dim3A_29 in 1 : vector<1024x1023xf32>, vector<1024x1xf32> -> vector<1024x1024xf32>
    %add3A_31 = arith.addf %add3A_26, %concatenate3A_30 : vector<1024x1024xf32>
    %broadcast_in_dim3A_32 = arith.constant 0.000000e+00 : f32
    %broadcast_in_dim3A_33 = vector.broadcast %broadcast_in_dim3A_32 : f32 to vector<1x1024xf32>
    %slice3A_34 = vector.extract_strided_slice %add3A_21 {offsets = [0, 0], sizes = [1023, 1024], strides = [1, 1]} : vector<1024x1024xf32> to vector<1023x1024xf32>
    %concatenate3A_35 = tpu.concatenate %broadcast_in_dim3A_33, %slice3A_34 in 0 : vector<1x1024xf32>, vector<1023x1024xf32> -> vector<1024x1024xf32>
    %add3A_36 = arith.addf %concatenate3A_35, %add3A_21 : vector<1024x1024xf32>
    %slice3A_37 = vector.extract_strided_slice %add3A_21 {offsets = [1, 0], sizes = [1023, 1024], strides = [1, 1]} : vector<1024x1024xf32> to vector<1023x1024xf32>
    %broadcast_in_dim3A_38 = arith.constant 0.000000e+00 : f32
    %broadcast_in_dim3A_39 = vector.broadcast %broadcast_in_dim3A_38 : f32 to vector<1x1024xf32>
    %concatenate3A_40 = tpu.concatenate %slice3A_37, %broadcast_in_dim3A_39 in 0 : vector<1023x1024xf32>, vector<1x1024xf32> -> vector<1024x1024xf32>
    %add3A_41 = arith.addf %add3A_36, %concatenate3A_40 : vector<1024x1024xf32>
    %add3A_42 = arith.constant 9.99999993E-9 : f32
    %add3A_43 = vector.broadcast %add3A_42 : f32 to vector<1024x1024xf32>
    %add3A_44 = arith.addf %add3A_41, %add3A_43 : vector<1024x1024xf32>
    %broadcast_in_dim3A_45 = arith.constant 0.000000e+00 : f32
    %broadcast_in_dim3A_46 = vector.broadcast %broadcast_in_dim3A_45 : f32 to vector<1x1024xf32>
    %slice3A_47 = vector.extract_strided_slice %add3A_31 {offsets = [0, 0], sizes = [1023, 1024], strides = [1, 1]} : vector<1024x1024xf32> to vector<1023x1024xf32>
    %concatenate3A_48 = tpu.concatenate %broadcast_in_dim3A_46, %slice3A_47 in 0 : vector<1x1024xf32>, vector<1023x1024xf32> -> vector<1024x1024xf32>
    %add3A_49 = arith.addf %concatenate3A_48, %add3A_31 : vector<1024x1024xf32>
    %slice3A_50 = vector.extract_strided_slice %add3A_31 {offsets = [1, 0], sizes = [1023, 1024], strides = [1, 1]} : vector<1024x1024xf32> to vector<1023x1024xf32>
    %broadcast_in_dim3A_51 = arith.constant 0.000000e+00 : f32
    %broadcast_in_dim3A_52 = vector.broadcast %broadcast_in_dim3A_51 : f32 to vector<1x1024xf32>
    %concatenate3A_53 = tpu.concatenate %slice3A_50, %broadcast_in_dim3A_52 in 0 : vector<1023x1024xf32>, vector<1x1024xf32> -> vector<1024x1024xf32>
    %add3A_54 = arith.addf %add3A_49, %concatenate3A_53 : vector<1024x1024xf32>
    %broadcast_in_dim3A_55 = arith.constant 0.000000e+00 : f32
    %broadcast_in_dim3A_56 = vector.broadcast %broadcast_in_dim3A_55 : f32 to vector<1x1024xf32>
    %slice3A_57 = vector.extract_strided_slice %add3A_21 {offsets = [0, 0], sizes = [1023, 1024], strides = [1, 1]} : vector<1024x1024xf32> to vector<1023x1024xf32>
    %concatenate3A_58 = tpu.concatenate %broadcast_in_dim3A_56, %slice3A_57 in 0 : vector<1x1024xf32>, vector<1023x1024xf32> -> vector<1024x1024xf32>
    %mul3A_59 = arith.constant -5.000000e-01 : f32
    %mul3A_60 = vector.broadcast %mul3A_59 : f32 to vector<1024x1024xf32>
    %mul3A_61 = arith.mulf %mul3A_60, %concatenate3A_58 : vector<1024x1024xf32>
    %mul3A_62 = arith.constant 5.000000e-01 : f32
    %mul3A_63 = vector.broadcast %mul3A_62 : f32 to vector<1024x1024xf32>
    %mul3A_64 = arith.mulf %mul3A_63, %add3A_21 : vector<1024x1024xf32>
    %add3A_65 = arith.addf %mul3A_61, %mul3A_64 : vector<1024x1024xf32>
    %slice3A_66 = vector.extract_strided_slice %add3A_21 {offsets = [1, 0], sizes = [1023, 1024], strides = [1, 1]} : vector<1024x1024xf32> to vector<1023x1024xf32>
    %broadcast_in_dim3A_67 = arith.constant 0.000000e+00 : f32
    %broadcast_in_dim3A_68 = vector.broadcast %broadcast_in_dim3A_67 : f32 to vector<1x1024xf32>
    %concatenate3A_69 = tpu.concatenate %slice3A_66, %broadcast_in_dim3A_68 in 0 : vector<1023x1024xf32>, vector<1x1024xf32> -> vector<1024x1024xf32>
    %mul3A_70 = arith.constant 1.500000e+00 : f32
    %mul3A_71 = vector.broadcast %mul3A_70 : f32 to vector<1024x1024xf32>
    %mul3A_72 = arith.mulf %mul3A_71, %concatenate3A_69 : vector<1024x1024xf32>
    %add3A_73 = arith.addf %add3A_65, %mul3A_72 : vector<1024x1024xf32>
    %broadcast_in_dim3A_74 = arith.constant 0.000000e+00 : f32
    %broadcast_in_dim3A_75 = vector.broadcast %broadcast_in_dim3A_74 : f32 to vector<1x1024xf32>
    %slice3A_76 = vector.extract_strided_slice %add3A_8 {offsets = [0, 0], sizes = [1023, 1024], strides = [1, 1]} : vector<1024x1024xf32> to vector<1023x1024xf32>
    %concatenate3A_77 = tpu.concatenate %broadcast_in_dim3A_75, %slice3A_76 in 0 : vector<1x1024xf32>, vector<1023x1024xf32> -> vector<1024x1024xf32>
    %add3A_78 = arith.addf %concatenate3A_77, %add3A_8 : vector<1024x1024xf32>
    %slice3A_79 = vector.extract_strided_slice %add3A_8 {offsets = [1, 0], sizes = [1023, 1024], strides = [1, 1]} : vector<1024x1024xf32> to vector<1023x1024xf32>
    %broadcast_in_dim3A_80 = arith.constant 0.000000e+00 : f32
    %broadcast_in_dim3A_81 = vector.broadcast %broadcast_in_dim3A_80 : f32 to vector<1x1024xf32>
    %concatenate3A_82 = tpu.concatenate %slice3A_79, %broadcast_in_dim3A_81 in 0 : vector<1023x1024xf32>, vector<1x1024xf32> -> vector<1024x1024xf32>
    %add3A_83 = arith.addf %add3A_78, %concatenate3A_82 : vector<1024x1024xf32>
    %broadcast_in_dim3A_84 = arith.constant 0.000000e+00 : f32
    %broadcast_in_dim3A_85 = vector.broadcast %broadcast_in_dim3A_84 : f32 to vector<1024x1xf32>
    %slice3A_86 = vector.extract_strided_slice %add3A_83 {offsets = [0, 0], sizes = [1024, 1023], strides = [1, 1]} : vector<1024x1024xf32> to vector<1024x1023xf32>
    %concatenate3A_87 = tpu.concatenate %broadcast_in_dim3A_85, %slice3A_86 in 1 : vector<1024x1xf32>, vector<1024x1023xf32> -> vector<1024x1024xf32>
    %mul3A_88 = arith.constant -5.000000e-01 : f32
    %mul3A_89 = vector.broadcast %mul3A_88 : f32 to vector<1024x1024xf32>
    %mul3A_90 = arith.mulf %mul3A_89, %concatenate3A_87 : vector<1024x1024xf32>
    %mul3A_91 = arith.constant 5.000000e-01 : f32
    %mul3A_92 = vector.broadcast %mul3A_91 : f32 to vector<1024x1024xf32>
    %mul3A_93 = arith.mulf %mul3A_92, %add3A_83 : vector<1024x1024xf32>
    %add3A_94 = arith.addf %mul3A_90, %mul3A_93 : vector<1024x1024xf32>
    %slice3A_95 = vector.extract_strided_slice %add3A_83 {offsets = [0, 1], sizes = [1024, 1023], strides = [1, 1]} : vector<1024x1024xf32> to vector<1024x1023xf32>
    %broadcast_in_dim3A_96 = arith.constant 0.000000e+00 : f32
    %broadcast_in_dim3A_97 = vector.broadcast %broadcast_in_dim3A_96 : f32 to vector<1024x1xf32>
    %concatenate3A_98 = tpu.concatenate %slice3A_95, %broadcast_in_dim3A_97 in 1 : vector<1024x1023xf32>, vector<1024x1xf32> -> vector<1024x1024xf32>
    %mul3A_99 = arith.constant 1.500000e+00 : f32
    %mul3A_100 = vector.broadcast %mul3A_99 : f32 to vector<1024x1024xf32>
    %mul3A_101 = arith.mulf %mul3A_100, %concatenate3A_98 : vector<1024x1024xf32>
    %add3A_102 = arith.addf %add3A_94, %mul3A_101 : vector<1024x1024xf32>
    %div3A = arith.constant 1.000000e+00 : f32
    %div3A_103 = vector.broadcast %div3A : f32 to vector<1024x1024xf32>
    %div3A_104 = arith.divf %div3A_103, %add3A_44 : vector<1024x1024xf32>
    %iota3A = tpu.iota {dimensions = array<i32: 0>} : vector<1024x1024xi32>
    %iota3A_105 = tpu.iota {dimensions = array<i32: 1>} : vector<1024x1024xi32>
    %convert_element_type3A = arith.sitofp %iota3A : vector<1024x1024xi32> to vector<1024x1024xf32>
    %convert_element_type3A_106 = arith.sitofp %iota3A_105 : vector<1024x1024xi32> to vector<1024x1024xf32>
    %mul3A_107 = arith.mulf %add3A_54, %div3A_104 : vector<1024x1024xf32>
    %swap3A = arith.constant 0 : index
    %swap3A_108 = arith.constant 0 : index
    %swap3A_109 = vector.load %arg4[%swap3A, %swap3A_108] : memref<1024x1024xf32, #tpu.memory_space<vmem>>, vector<1024x1024xf32>
    tpu.vector_store %arg4[%swap3A, %swap3A_108], %mul3A_107 {strides = array<i32>} : memref<1024x1024xf32, #tpu.memory_space<vmem>>, vector<1024x1024xf32>,
    %mul3A_110 = arith.mulf %add3A_73, %div3A_104 : vector<1024x1024xf32>
    %add3A_111 = arith.addf %mul3A_110, %convert_element_type3A : vector<1024x1024xf32>
    %mul3A_112 = arith.constant 9.765625E-4 : f32
    %mul3A_113 = vector.broadcast %mul3A_112 : f32 to vector<1024x1024xf32>
    %mul3A_114 = arith.mulf %add3A_111, %mul3A_113 : vector<1024x1024xf32>
    %swap3A_115 = arith.constant 0 : index
    %swap3A_116 = arith.constant 0 : index
    %swap3A_117 = vector.load %arg5[%swap3A_115, %swap3A_116] : memref<1024x1024xf32, #tpu.memory_space<vmem>>, vector<1024x1024xf32>
    tpu.vector_store %arg5[%swap3A_115, %swap3A_116], %mul3A_114 {strides = array<i32>} : memref<1024x1024xf32, #tpu.memory_space<vmem>>, vector<1024x1024xf32>,
    %mul3A_118 = arith.mulf %add3A_102, %div3A_104 : vector<1024x1024xf32>
    %add3A_119 = arith.addf %mul3A_118, %convert_element_type3A_106 : vector<1024x1024xf32>
    %mul3A_120 = arith.constant 9.765625E-4 : f32
    %mul3A_121 = vector.broadcast %mul3A_120 : f32 to vector<1024x1024xf32>
    %mul3A_122 = arith.mulf %add3A_119, %mul3A_121 : vector<1024x1024xf32>
    %swap3A_123 = arith.constant 0 : index
    %swap3A_124 = arith.constant 0 : index
    %swap3A_125 = vector.load %arg6[%swap3A_123, %swap3A_124] : memref<1024x1024xf32, #tpu.memory_space<vmem>>, vector<1024x1024xf32>
    tpu.vector_store %arg6[%swap3A_123, %swap3A_124], %mul3A_122 {strides = array<i32>} : memref<1024x1024xf32, #tpu.memory_space<vmem>>, vector<1024x1024xf32>,
    %broadcast_in_dim3A_126 = arith.constant 0.000000e+00 : f32
    %broadcast_in_dim3A_127 = vector.broadcast %broadcast_in_dim3A_126 : f32 to vector<1024x1xf32>
    %slice3A_128 = vector.extract_strided_slice %get3A_4 {offsets = [0, 0], sizes = [1024, 1023], strides = [1, 1]} : vector<1024x1024xf32> to vector<1024x1023xf32>
    %concatenate3A_129 = tpu.concatenate %broadcast_in_dim3A_127, %slice3A_128 in 1 : vector<1024x1xf32>, vector<1024x1023xf32> -> vector<1024x1024xf32>
    %max3A = arith.maximumf %concatenate3A_129, %get3A_4 : vector<1024x1024xf32>
    %slice3A_130 = vector.extract_strided_slice %get3A_4 {offsets = [0, 1], sizes = [1024, 1023], strides = [1, 1]} : vector<1024x1024xf32> to vector<1024x1023xf32>
    %broadcast_in_dim3A_131 = arith.constant 0.000000e+00 : f32
    %broadcast_in_dim3A_132 = vector.broadcast %broadcast_in_dim3A_131 : f32 to vector<1024x1xf32>
    %concatenate3A_133 = tpu.concatenate %slice3A_130, %broadcast_in_dim3A_132 in 1 : vector<1024x1023xf32>, vector<1024x1xf32> -> vector<1024x1024xf32>
    %max3A_134 = arith.maximumf %max3A, %concatenate3A_133 : vector<1024x1024xf32>
    %broadcast_in_dim3A_135 = arith.constant 0.000000e+00 : f32
    %broadcast_in_dim3A_136 = vector.broadcast %broadcast_in_dim3A_135 : f32 to vector<1x1024xf32>
    %slice3A_137 = vector.extract_strided_slice %max3A_134 {offsets = [0, 0], sizes = [1023, 1024], strides = [1, 1]} : vector<1024x1024xf32> to vector<1023x1024xf32>
    %concatenate3A_138 = tpu.concatenate %broadcast_in_dim3A_136, %slice3A_137 in 0 : vector<1x1024xf32>, vector<1023x1024xf32> -> vector<1024x1024xf32>
    %max3A_139 = arith.maximumf %concatenate3A_138, %max3A_134 : vector<1024x1024xf32>
    %slice3A_140 = vector.extract_strided_slice %max3A_134 {offsets = [1, 0], sizes = [1023, 1024], strides = [1, 1]} : vector<1024x1024xf32> to vector<1023x1024xf32>
    %broadcast_in_dim3A_141 = arith.constant 0.000000e+00 : f32
    %broadcast_in_dim3A_142 = vector.broadcast %broadcast_in_dim3A_141 : f32 to vector<1x1024xf32>
    %concatenate3A_143 = tpu.concatenate %slice3A_140, %broadcast_in_dim3A_142 in 0 : vector<1023x1024xf32>, vector<1x1024xf32> -> vector<1024x1024xf32>
    %max3A_144 = arith.maximumf %max3A_139, %concatenate3A_143 : vector<1024x1024xf32>
    %sub3A_145 = arith.subf %get3A_4, %max3A_144 : vector<1024x1024xf32>
    %add3A_146 = arith.constant 9.99999974E-6 : f32
    %add3A_147 = vector.broadcast %add3A_146 : f32 to vector<1024x1024xf32>
    %add3A_148 = arith.addf %sub3A_145, %add3A_147 : vector<1024x1024xf32>
    %gt3A = arith.constant 0.000000e+00 : f32
    %gt3A_149 = vector.broadcast %gt3A : f32 to vector<1024x1024xf32>
    %gt3A_150 = arith.cmpf ogt, %add3A_148, %gt3A_149 : vector<1024x1024xf32>
    %gt3A_151 = arith.cmpf ogt, %get3A_4, %get3A_1 : vector<1024x1024xf32>
    %and3A = arith.andi %gt3A_150, %gt3A_151 : vector<1024x1024xi1>
    %gt3A_152 = arith.cmpf ogt, %get3A_4, %get3A_7 : vector<1024x1024xf32>
    %and3A_153 = arith.andi %and3A, %gt3A_152 : vector<1024x1024xi1>
    %ge3A = arith.constant 3 : i32
    %ge3A_154 = vector.broadcast %ge3A : i32 to vector<1024x1024xi32>
    %ge3A_155 = arith.cmpi sge, %iota3A, %ge3A_154 : vector<1024x1024xi32>
    %lt3A = arith.constant 1021 : i32
    %lt3A_156 = vector.broadcast %lt3A : i32 to vector<1024x1024xi32>
    %lt3A_157 = arith.cmpi slt, %iota3A, %lt3A_156 : vector<1024x1024xi32>
    %and3A_158 = arith.andi %ge3A_155, %lt3A_157 : vector<1024x1024xi1>
    %ge3A_159 = arith.constant 3 : i32
    %ge3A_160 = vector.broadcast %ge3A_159 : i32 to vector<1024x1024xi32>
    %ge3A_161 = arith.cmpi sge, %iota3A_105, %ge3A_160 : vector<1024x1024xi32>
    %and3A_162 = arith.andi %and3A_158, %ge3A_161 : vector<1024x1024xi1>
    %lt3A_163 = arith.constant 1021 : i32
    %lt3A_164 = vector.broadcast %lt3A_163 : i32 to vector<1024x1024xi32>
    %lt3A_165 = arith.cmpi slt, %iota3A_105, %lt3A_164 : vector<1024x1024xi32>
    %and3A_166 = arith.andi %and3A_162, %lt3A_165 : vector<1024x1024xi1>
    %and3A_167 = arith.andi %and3A_153, %and3A_166 : vector<1024x1024xi1>
    %jit3A = arith.constant 0.000000e+00 : f32
    %broadcast_in_dim3A_168 = vector.broadcast %jit3A : f32 to vector<1024x1024xf32>
    %select_n3A = arith.select %and3A_167, %get3A_4, %broadcast_in_dim3A_168 : vector<1024x1024xi1>, vector<1024x1024xf32>
    %swap3A_169 = arith.constant 0 : index
    %swap3A_170 = arith.constant 0 : index
    %swap3A_171 = vector.load %arg3[%swap3A_169, %swap3A_170] : memref<1024x1024xf32, #tpu.memory_space<vmem>>, vector<1024x1024xf32>
    tpu.vector_store %arg3[%swap3A_169, %swap3A_170], %select_n3A {strides = array<i32>} : memref<1024x1024xf32, #tpu.memory_space<vmem>>, vector<1024x1024xf32>,
    return
  }
}

</mosaic_0001>

<sc_bundles>
// kernel: _run.4.cloned.1.call-start
scs
__scs_entry_jumppad:
0x0: {  	(pc) =	sbr.rel $0x88, $3  }
0x1: {  	(tag) =	ssettag $0x0;
	lr =	simm.s32 $0x1  }
0x2: {  	[smem:$0x3F9E] =	sst lr;
	_ =	strace $0xD0000000  }
0x3: {  	_ = 	snop  }
0x4: {  	_ = 	snop  }
0x5: {  	_ = 	snop  }
0x6: {  	_ = 	snop  }
0x7: {  	_ = 	snop  }
__scs_overlays_trampoline_lowered:
0x8: {  	[smem:$0x3FAD] =	sst s0  }
0x9: {  	[smem:$0x3FAE] =	sst s1  }
0xa: {  	[smem:$0x3FAF] =	sst s2  }
0xb: {  	[smem:$0x3FB0] =	sst s3  }
0xc: {  	[smem:$0x3FB1] =	sst s4  }
0xd: {  	[smem:$0x3FB2] =	sst s5  }
0xe: {  	[smem:$0x3FB3] =	sst s6  }
0xf: {  	[smem:$0x3FB4] =	sst s7  }
0x10: {  	[smem:$0x3FB5] =	sst s8  }
0x11: {  	[smem:$0x3FB6] =	sst s9;
	s0 =	simm.s32 @!p0 $0x0  }
0x12: {  	s1 =	sld [smem:$0x3F9C];
	s0 =	simm.s32 @p0 $0x1  }
0x13: {  	[smem:$0x3FB7] =	sst s0;
	s0 =	simm.s32 @!p1 $0x0  }
0x14: {  	s2 =	sld [smem:$0x3F9B];
	s0 =	simm.s32 @p1 $0x1  }
0x15: {  	[smem:$0x3FB8] =	sst s0;
	s0 =	simm.s32 @!p2 $0x0  }
0x16: {  	s3 =	sld [smem:$0x3FDB];
	s0 =	simm.s32 @p2 $0x1  }
0x17: {  	s4 =	simm.s32 $0x1BF5;
	[smem:$0x3FBA] =	sst s0  }
0x18: {  	s0 =	sld [smem:$0x3F9D];
	_ =	swait.ge [sflag:s4], $0x0  }
0x19: {  	s7 =	sld [smem:$0x3F9E]  }
0x1a: {  	s8 =	sadd.s32 $0xFFFFE003, lr  }
0x1b: {  	s9 =	sadd.s32 $0xFFFFFEF7, lr;
	s5 =	simm.s32 $0xFFFFFFFF;
	p2 =	slt.u32 s8, $0xFFFFF086  }
0x1c: {  	p1 =	slt.u32 s9, $0xF7A;
	s5 =	simm.s32 @!p2 $0x0  }
0x1d: {  	s5 =	simm.s32 @p1 $0x1;
	p0 =	seq.s32 s7, s2  }
0x1e: {  	s7 =	smul.u32 @!p0 $0xF7A, s2;
	p2 =	seq.s32 @!p0 s5, $0x0  }
0x1f: {  	s9 =	smul.u32 $0xF7A, s1;
	s8 =	simm.s32 @!p0 $0x1BF5;
	p2 =	por !p2, p0  }
0x20: {  	[sflag:s8] =	ssyncset.s32 @!p0 $0xFFFFF086;
	s6 =	sadd.s32 @!p0 s3, s7;
	s7 =	simm.s32 @!p0 $0x108  }
0x21: {  	s3 =	sadd.s32 s3, s9;
	s6 =	sadd.s32 @!p0 $0x88, s6;
	s7 =	simm.s32 @p2 $0x1082  }
0x22: {  	[simem:s7], [sflag:s8] =	dma.local @!p0 [hbm:s6], $0xF7A  }
0x23: {  	s9 =	sor.u32 $0xD0000000, s2;
	s6 =	simm.s32 $0x108;
	_ =	swait.ge @!p0 [sflag:s8], $0x0  }
0x24: {  	s3 =	sadd.s32 $0x88, s3;
	s6 =	simm.s32 @!p1 $0x1082;
	[sflag:s4] =	ssyncset.s32 $0xFFFFF086  }
0x25: {  	[simem:s6], [sflag:s4] =	dma.local [hbm:s3], $0xF7A  }
0x26: {  	[smem:$0x3F9E] =	sst s1;
	(tag) =	ssettag s2;
	_ =	strace s9  }
0x27: {  	s1 =	sld [smem:$0x3FAE]  }
0x28: {  	s2 =	sld [smem:$0x3FAF]  }
0x29: {  	s4 =	sld [smem:$0x3FB1]  }
0x2a: {  	p0 =	seq.s32 s5, $0x0;
	s5 =	sld [smem:$0x3FB2]  }
0x2b: {  	s6 =	sld [smem:$0x3FB3]  }
0x2c: {  	s7 =	sld [smem:$0x3FB4]  }
0x2d: {  	s3 =	simm.s32 $0x108;
	s8 =	sld [smem:$0x3FB5]  }
0x2e: {  	s3 =	simm.s32 @!p0 $0x1082;
	s9 =	sld [smem:$0x3FB6]  }
0x2f: {  	lr =	sadd.s32 s0, s3;
	s0 =	sld [smem:$0x3FAD]  }
0x30: {  	s3 =	sld [smem:$0x3FB0]  }
0x31: {  	[smem:$0x3FB9] =	sst s10  }
0x32: {  	s10 =	sld [smem:$0x3FB7];
	_ =	sdelay $0x3  }
0x33: {  	p0 =	seq.s32 s10, $0x1;
	s10 =	sld [smem:$0x3FB9];
	_ =	sdelay $0x3  }
0x34: {  	[smem:$0x3FB9] =	sst s10  }
0x35: {  	s10 =	sld [smem:$0x3FB8];
	_ =	sdelay $0x3  }
0x36: {  	p1 =	seq.s32 s10, $0x1;
	s10 =	sld [smem:$0x3FB9];
	_ =	sdelay $0x3  }
0x37: {  	[smem:$0x3FB9] =	sst s10  }
0x38: {  	s10 =	sld [smem:$0x3FBA]  }
0x39: {  	_ = 	snop;
	(pc) =	sbr.ind lr, $3  }
0x3a: {  	_ = 	snop  }
0x3b: {  	_ = 	snop  }
0x3c: {  	p2 =	seq.s32 s10, $0x1;
	s10 =	sld [smem:$0x3FB9]  }
0x3d: {  	_ =	shalt  }
0x3e: {  	_ =	shalt  }
0x3f: {  	_ =	shalt  }
0x40: {  	_ =	shalt  }
0x41: {  	_ =	shalt  }
0x42: {  	_ =	shalt  }
0x43: {  	_ =	shalt  }
0x44: {  	_ =	shalt  }
0x45: {  	_ =	shalt  }
0x46: {  	_ =	shalt  }
0x47: {  	_ =	shalt  }
0x48: {  	_ =	shalt  }
0x49: {  	_ =	shalt  }
0x4a: {  	_ =	shalt  }
0x4b: {  	_ =	shalt  }
0x4c: {  	_ =	shalt  }
0x4d: {  	_ =	shalt  }
0x4e: {  	_ =	shalt  }
0x4f: {  	_ =	shalt  }
0x50: {  	_ =	shalt  }
0x51: {  	_ =	shalt  }
0x52: {  	_ =	shalt  }
0x53: {  	_ =	shalt  }
0x54: {  	_ =	shalt  }
0x55: {  	_ =	shalt  }
0x56: {  	_ =	shalt  }
0x57: {  	_ =	shalt  }
0x58: {  	_ =	shalt  }
0x59: {  	_ =	shalt  }
0x5a: {  	_ =	shalt  }
0x5b: {  	_ =	shalt  }
0x5c: {  	_ =	shalt  }
0x5d: {  	_ =	shalt  }
0x5e: {  	_ =	shalt  }
0x5f: {  	_ =	shalt  }
0x60: {  	_ =	shalt  }
0x61: {  	_ =	shalt  }
0x62: {  	_ =	shalt  }
0x63: {  	_ =	shalt  }
0x64: {  	_ =	shalt  }
0x65: {  	_ =	shalt  }
0x66: {  	_ =	shalt  }
0x67: {  	_ =	shalt  }
0x68: {  	_ =	shalt  }
0x69: {  	_ =	shalt  }
0x6a: {  	_ =	shalt  }
0x6b: {  	_ =	shalt  }
0x6c: {  	_ =	shalt  }
0x6d: {  	_ =	shalt  }
0x6e: {  	_ =	shalt  }
0x6f: {  	_ =	shalt  }
0x70: {  	_ =	shalt  }
0x71: {  	_ =	shalt  }
0x72: {  	_ =	shalt  }
0x73: {  	_ =	shalt  }
0x74: {  	_ =	shalt  }
0x75: {  	_ =	shalt  }
0x76: {  	_ =	shalt  }
0x77: {  	_ =	shalt  }
0x78: {  	_ =	shalt  }
0x79: {  	_ =	shalt  }
0x7a: {  	_ =	shalt  }
0x7b: {  	_ =	shalt  }
0x7c: {  	_ =	shalt  }
0x7d: {  	_ =	shalt  }
0x7e: {  	_ =	shalt  }
0x7f: {  	_ =	shalt  }
0x80: {  	_ =	shalt  }
0x81: {  	_ =	shalt  }
0x82: {  	_ =	shalt  }
0x83: {  	_ =	shalt  }
0x84: {  	_ =	shalt  }
0x85: {  	_ =	shalt  }
0x86: {  	_ =	shalt  }
0x87: {  	_ =	shalt  }
.Lfunc_end0:
.L_simem_size_0:
called_computation.1_lowered:
.L_overlay_start_0:
0x88: {  	s2 =	sld [smem:$0x3FD9]  }
0x89: {  	s3 =	sld [smem:$0x3FFE];
	_ =	sdelay $0x1  }
0x8a: {  	s1 =	srdreg.scid  }
0x8b: {  	s0 =	sand.u32 $0x1, s1  }
0x8c: {  	s14 =	sshll.u32 s0, $0xA;
	s2 =	sadd.s32 s3, s2  }
0x8d: {  	s2 =	sadd.s32 s2, s14  }
0x8e: {  	[smem:$0x3FC5] =	sst s2  }
0x8f: {  	_ = 	snop  }
0x90: {  	s2 =	sld [smem:$0x3FD0];
	_ =	sdelay $0x2  }
0x91: {  	s15 =	simm.s32 $0xA;
	s4 =	simm.s32 $0x10  }
0x92: {  	[smem:s4], [sflag:s15] =	dma.local [hbm:s2], $0x1  }
0x93: {  	_ =	swait.eq [sflag:s15], $0x1  }
0x94: {  	[sflag:s15] =	ssyncset.done $0x0  }
0x95: {  	[sflag:s15] =	ssyncadd.s32 $0xFFFFFFFF  }
0x96: {  	s16 =	sld [smem:$0x11];
	(tm) =	ssettm $0x1  }
0x97: {  	s17 =	sld [smem:$0x3FFB];
	_ =	sdelay $0x3  }
0x98: {  	_ =	strace s17  }
0x99: {  	s3 =	sld [smem:$0x3FFC];
	_ =	sdelay $0x3  }
0x9a: {  	_ =	strace s3  }
0x9b: {  	s3 =	sld [smem:$0x3FFD];
	_ =	sdelay $0x3  }
0x9c: {  	_ =	strace s3  }
0x9d: {  	_ =	strace $0x8FFFFFFF  }
0x9e: {  	s18 =	sld [smem:$0x3FDB];
	_ =	sdelay $0x1  }
0x9f: {  	s19 =	simm.s32 $_scs_section_size  }
0xa0: {  	s5 =	simm.s32 $_size__tile_overlayer_lowered;
	s6 =	simm.s32 $_tile_overlayer_lowered  }
0xa1: {  	s22 =	simm.s32 $0x1BFF;
	s21 =	sshll.u32 s6, $0x1;
	s3 =	sadd.s32 s19, s18  }
0xa2: {  	s7 =	simm.s32 $0x0;
	s20 =	sshll.u32 s5, $0x1;
	s5 =	sadd.s32 s21, s3  }
0xa3: {  	[timem:s7], [sflag:s22] =	dma.local [hbm:s5], s20  }
0xa4: {  	_ =	swait.ge [sflag:s22], s20  }
0xa5: {  	s4 =	ssub.s32 $0x0, s20;
	[sflag:s22] =	ssyncset.done $0x0  }
0xa6: {  	[sflag:s22] =	ssyncadd.s32 s4;
	_ =	sdelay $0x1  }
0xa7: {  	s23 =	simm.s32 $0x1B8B  }
0xa8: {  	_ =	swait.ge [sflag:s23], $0x1  }
0xa9: {  	[sflag:s23] =	ssyncset.done $0x0  }
0xaa: {  	s25 =	simm.s32 $0x1B8E;
	s24 =	sld [smem:$0x3FFE];
	[sflag:s23] =	ssyncadd.s32 $0xFFFFFFFF  }
0xab: {  	s26 =	simm.s32 $execute0_lowered;
	[smem:$0x3FD2] =	sst s25  }
0xac: {  	s5 =	sshll.u32 s26, $0x1;
	_ =	strace $0x80000049;
	[dreg:$0x1] =	wrdreg $0xFFFFFFFF  }
0xad: {  	s28 =	simm.s32 $_size_execute0_lowered;
	s3 =	sadd.s32 s3, s5;
	[dreg:$0x0] =	wrdreg $0x0  }
0xae: {  	s5 =	sshll.u32 s28, $0x1;
	[dreg:$0x2] =	wrdreg s3  }
0xaf: {  	[dreg:$0x3] =	wrdreg s5  }
0xb0: {  	[dreg:$0x4] =	wrdreg $0xC0  }
0xb1: {  	_ =	task [dreg:s7], $0x5FFFF  }
0xb2: {  	[dreg:$0x1] =	wrdreg $0xFFFFFFFF  }
0xb3: {  	[dreg:$0x0] =	wrdreg $0x60  }
0xb4: {  	[dreg:$0x2] =	wrdreg s16  }
0xb5: {  	[dreg:$0x3] =	wrdreg s24  }
0xb6: {  	[dreg:$0x4] =	wrdreg $0x9  }
0xb7: {  	_ =	task.clear_ibuf [dreg:s7], $0x5FFFF;
	_ =	strace $0x90000049  }
0xb8: {  	s29 =	simm.s32 $0x9;
	_ =	strace $0x8000004B  }
0xb9: {  	_ =	swait.ge [sflag:s29], $0x1  }
0xba: {  	[sflag:s29] =	ssyncadd.s32 $0xFFFFFFFF  }
0xbb: {  	_ =	strace $0x9000004B  }
0xbc: {  	_ =	sfence  }
0xbd: {  	s30 =	sld [smem:$0x0];
	_ =	sdelay $0x2  }
0xbe: {  	s31 =	sshll.u32 s1, $0xD;
	s1 =	sshrl.u32 s1, $0x2  }
0xbf: {  	s3 =	sand.u32 $0x4000, s31;
	s1 =	sadd.s32 s1, s30  }
0xc0: {  	s0 =	sor.u32 s3, s0;
	s1 =	sshll.u32 s1, $0x11  }
0xc1: {  	s0 =	sor.u32 s1, s0  }
0xc2: {  	s0 =	sadd.s32 $0x8F2B, s0  }
0xc3: {  	[sflag:s0] =	ssyncadd.remote.s32 $0x1  }
0xc4: {  	_ =	sfence.sel $0xFFFF  }
0xc5: {  	[dreg:$0x0] =	wrdreg $0xFFFFFFFF;
	(pc) =	sbr.abs _section_cstart, $3  }
0xc6: {  	[dreg:$0x1] =	wrdreg $0xFFFFFFFF  }
0xc7: {  	_ =	task.clear_ibuf [dreg:s7], $0x2FFFF;
	_ =	strace $0x9FFFFFFF  }
0xc8: {  	(tm) =	ssettm $0x7FFFFFFF  }
0xc9: {  	_ =	shalt  }
tec
execute0_lowered:
.L_overlay_start_1:
0x0: {  	(tag) =	ssettag $0x1  }
0x1: {  	s3 =	rddreg [dreg:$0x0]  }
0x2: {  	s13 =	rddreg [dreg:$0x1];
	s2 =	srdreg.scid  }
0x3: {  	s0 =	rddreg [dreg:$0x2];
	s1 =	stileid.u32;
	s15 =	sand.u32 $0x1, s2  }
0x4: {  	s2 =	simm.s32 $0x0;
	s4 =	sshll.u32 s1, $0x4;
	s5 =	sshll.u32 s15, $0x3  }
0x5: {  	[smem:$0x7FF] =	sst s2;
	s14 =	sor.u32 s5, s4  }
0x6: {  	_ =	strace $0x8000004A;
	s4 =	sadd.s32 s3, s14;
	s3 =	simm.s32 $0x2  }
0x7: {  	[tilespmem:s2], [sflag:$0x2] =	stream.linear.gather [hbm4b:s4+s2], $0x40, $0x38;
	[tilespmem:$0x200] =	vst v63  }
0x8: {  	_ =	swait.ge [sflag:s3], $0x40  }
0x9: {  	s6 =	simm.s32 $0x40;
	s7 =	simm.s32 $0x80;
	[sflag:s3] =	ssyncset.done $0x0  }
0xa: {  	s8 =	simm.s32 $0x1;
	s5 =	sadd.s32 $0x40A00, s13;
	[sflag:s3] =	ssyncadd.s32 $0xFFFFFFC0  }
0xb: {  	[tilespmem:s7], [sflag:$0x1] =	stream.indirect.gather [hbm4b:s5+s6], $0x1, s2, s6, $0xb8;
	[tilespmem:$0x200] =	vst v63  }
0xc: {  	_ =	swait.ge [sflag:s8], $0x40  }
0xd: {  	[sflag:s8] =	ssyncset.done $0x0  }
0xe: {  	s10 =	simm.s32 $0x100;
	s9 =	sadd.s32 $0x800, s13;
	[sflag:s8] =	ssyncadd.s32 $0xFFFFFFC0  }
0xf: {  	[tilespmem:s10], [sflag:$0x1] =	stream.indirect.gather [hbm4b:s9+s6], $0x1, s2, s6, $0xb8;
	[tilespmem:$0x200] =	vst v63  }
0x10: {  	_ =	swait.ge [sflag:s8], $0x40  }
0x11: {  	[sflag:s8] =	ssyncset.done $0x0  }
0x12: {  	s12 =	simm.s32 $0x180;
	s11 =	sadd.s32 $0x20800, s13;
	[sflag:s8] =	ssyncadd.s32 $0xFFFFFFC0  }
0x13: {  	[tilespmem:s12], [sflag:$0x1] =	stream.indirect.gather [hbm4b:s11+s6], $0x1, s2, s6, $0xb8;
	[tilespmem:$0x200] =	vst v63  }
0x14: {  	_ =	swait.ge [sflag:s8], $0x40  }
0x15: {  	s13 =	sadd.s32 s13, s14;
	[sflag:s8] =	ssyncset.done $0x0  }
0x16: {  	s15 =	ssub.s32 $0x2, s15;
	s14 =	sadd.s32 $0x40800, s13;
	[sflag:s8] =	ssyncadd.s32 $0xFFFFFFC0  }
0x17: {  	[hbm4b:s14+s2] =	stream.linear.scatter [tilespmem:s7], [sflag:$0x2], $0x40, $0x38;
	[tilespmem:$0x200] =	vst v63  }
0x18: {  	s16 =	sshrl.u32 s15, $0x1;
	_ =	swait.ge [sflag:s3], $0x40  }
0x19: {  	s16 =	ssub.s32 s15, s16;
	[sflag:s3] =	ssyncset.done $0x0  }
0x1a: {  	s16 =	smax.u32 s16, $0x1;
	[sflag:s3] =	ssyncadd.s32 $0xFFFFFFC0  }
0x1b: {  	[hbm4b:s13+s2] =	stream.linear.scatter [tilespmem:s10], [sflag:$0x2], $0x40, $0x38;
	[tilespmem:$0x200] =	vst v63  }
0x1c: {  	p0 =	sne.s32 s16, $0x1;
	_ =	swait.ge [sflag:s3], $0x40  }
.Ltmp0:
0x1d: {  	[sflag:s3] =	ssyncset.done $0x0;
	(pc) =	sbr.rel @!p0 .LBB2_2-.Ltmp0, $4  }
0x1e: {  	s15 =	sadd.s32 $0x200, s13;
	[sflag:s3] =	ssyncadd.s32 $0xFFFFFFC0  }
0x1f: {  	[hbm4b:s15+s2] =	stream.linear.scatter [tilespmem:s12], [sflag:$0x2], $0x40, $0x38;
	[tilespmem:$0x200] =	vst v63  }
0x20: {  	_ =	swait.ge [sflag:s3], $0x40  }
0x21: {  	s16 =	sadd.s32 $0xFFFFFFFF, s16;
	[sflag:s3] =	ssyncset.done $0x0  }
.LBB2_1:
0x22: {  	p0 =	sne.s32 s16, $0x1;
	s16 =	sadd.s32 $0xFFFFFFFF, s16;
	[sflag:s3] =	ssyncadd.s32 $0xFFFFFFC0  }
0x23: {  	[tilespmem:s2], [sflag:$0x2] =	stream.linear.gather [hbm4b:s4+s2], $0x40, $0x38;
	[tilespmem:$0x200] =	vst v63  }
0x24: {  	_ =	swait.ge [sflag:s3], $0x40  }
0x25: {  	[sflag:s3] =	ssyncset.done $0x0  }
0x26: {  	[sflag:s3] =	ssyncadd.s32 $0xFFFFFFC0  }
0x27: {  	[tilespmem:s7], [sflag:$0x1] =	stream.indirect.gather [hbm4b:s5+s6], $0x1, s2, s6, $0xb8;
	[tilespmem:$0x200] =	vst v63  }
0x28: {  	_ =	swait.ge [sflag:s8], $0x40  }
0x29: {  	[sflag:s8] =	ssyncset.done $0x0  }
0x2a: {  	[sflag:s8] =	ssyncadd.s32 $0xFFFFFFC0  }
0x2b: {  	[tilespmem:s10], [sflag:$0x1] =	stream.indirect.gather [hbm4b:s9+s6], $0x1, s2, s6, $0xb8;
	[tilespmem:$0x200] =	vst v63  }
0x2c: {  	_ =	swait.ge [sflag:s8], $0x40  }
0x2d: {  	[sflag:s8] =	ssyncset.done $0x0  }
0x2e: {  	[sflag:s8] =	ssyncadd.s32 $0xFFFFFFC0  }
0x2f: {  	[tilespmem:s12], [sflag:$0x1] =	stream.indirect.gather [hbm4b:s11+s6], $0x1, s2, s6, $0xb8;
	[tilespmem:$0x200] =	vst v63  }
0x30: {  	_ =	swait.ge [sflag:s8], $0x40  }
0x31: {  	[sflag:s8] =	ssyncset.done $0x0  }
0x32: {  	[sflag:s8] =	ssyncadd.s32 $0xFFFFFFC0  }
0x33: {  	[hbm4b:s14+s2] =	stream.linear.scatter [tilespmem:s7], [sflag:$0x2], $0x40, $0x38;
	[tilespmem:$0x200] =	vst v63  }
0x34: {  	_ =	swait.ge [sflag:s3], $0x40  }
0x35: {  	[sflag:s3] =	ssyncset.done $0x0  }
0x36: {  	[sflag:s3] =	ssyncadd.s32 $0xFFFFFFC0  }
0x37: {  	[hbm4b:s13+s2] =	stream.linear.scatter [tilespmem:s10], [sflag:$0x2], $0x40, $0x38;
	[tilespmem:$0x200] =	vst v63  }
0x38: {  	_ =	swait.ge [sflag:s3], $0x40  }
.Ltmp1:
0x39: {  	[sflag:s3] =	ssyncset.done $0x0;
	(pc) =	sbr.rel @p0 .LBB2_1-.Ltmp1, $4  }
0x3a: {  	[sflag:s3] =	ssyncadd.s32 $0xFFFFFFC0  }
0x3b: {  	[hbm4b:s15+s2] =	stream.linear.scatter [tilespmem:s12], [sflag:$0x2], $0x40, $0x38;
	[tilespmem:$0x200] =	vst v63  }
0x3c: {  	_ =	swait.ge [sflag:s3], $0x40  }
0x3d: {  	[sflag:s3] =	ssyncset.done $0x0  }
.LBB2_2:
0x3e: {  	[sflag:s3] =	ssyncadd.s32 $0xFFFFFFC0  }
0x3f: {  	_ =	sfence.sel $0x180000  }
0x40: {  	[bflag:$0x0] =	sbarrier.arrive $0xFFFF  }
0x41: {  	p0 =	sne.s32 s1, $0x0;
	_ =	strace $0x9000004A  }
0x42: {  	s0 =	sadd.s32 @!p0 $0x100000, s0;
	[bflag:$0x2] =	sbarrier.arrive $0xFFFF  }
0x43: {  	[sflag:s0] =	ssyncadd.tile.s32 @!p0 $0x1;
	_ =	shalt  }
.Lfunc_end2:
_tile_overlayer_lowered:
.L_overlay_start_2:
0x44: {  	(tag) =	ssettag $0x2  }
0x45: {  	s0 =	rddreg [dreg:$0x0];
	s2 =	stileid.u32  }
0x46: {  	s1 =	rddreg [dreg:$0x1];
	p0 =	sne.s32 s2, $0x0  }
0x47: {  	s3 =	rddreg [dreg:$0x2];
	[bflag:$0x3] =	sbarrier.arrive $0xFFFF;
	s2 =	simm.s32 @!p0 $0x1C02  }
0x48: {  	[timem:s3], [sflag:s2] =	dma.local @!p0 [hbm:s0], s1  }
0x49: {  	s0 =	simm.s32 @!p0 $0x2  }
0x4a: {  	_ =	swait.ge @!p0 [sflag:s0], s1  }
0x4b: {  	s1 =	ssub.s32 @!p0 $0x0, s1;
	[sflag:s0] =	ssyncset.done @!p0 $0x0  }
0x4c: {  	[sflag:s0] =	ssyncadd.s32 @!p0 s1  }
0x4d: {  	[bflag:$0x3] =	sbarrier.arrive $0xFFFF  }
0x4e: {  	_ =	shalt  }

// kernel: gather_offload_async_start
scs
__scs_entry_jumppad:
0x0: {  	(pc) =	sbr.rel $0x88, $3  }
0x1: {  	(tag) =	ssettag $0x0;
	lr =	simm.s32 $0x1  }
0x2: {  	[smem:$0x3F9E] =	sst lr;
	_ =	strace $0xD0000000  }
0x3: {  	_ = 	snop  }
0x4: {  	_ = 	snop  }
0x5: {  	_ = 	snop  }
0x6: {  	_ = 	snop  }
0x7: {  	_ = 	snop  }
__scs_overlays_trampoline_lowered:
0x8: {  	[smem:$0x3FAD] =	sst s0  }
0x9: {  	[smem:$0x3FAE] =	sst s1  }
0xa: {  	[smem:$0x3FAF] =	sst s2  }
0xb: {  	[smem:$0x3FB0] =	sst s3  }
0xc: {  	[smem:$0x3FB1] =	sst s4  }
0xd: {  	[smem:$0x3FB2] =	sst s5  }
0xe: {  	[smem:$0x3FB3] =	sst s6  }
0xf: {  	[smem:$0x3FB4] =	sst s7  }
0x10: {  	[smem:$0x3FB5] =	sst s8  }
0x11: {  	[smem:$0x3FB6] =	sst s9;
	s0 =	simm.s32 @!p0 $0x0  }
0x12: {  	s1 =	sld [smem:$0x3F9C];
	s0 =	simm.s32 @p0 $0x1  }
0x13: {  	[smem:$0x3FB7] =	sst s0;
	s0 =	simm.s32 @!p1 $0x0  }
0x14: {  	s2 =	sld [smem:$0x3F9B];
	s0 =	simm.s32 @p1 $0x1  }
0x15: {  	[smem:$0x3FB8] =	sst s0;
	s0 =	simm.s32 @!p2 $0x0  }
0x16: {  	s3 =	sld [smem:$0x3FDB];
	s0 =	simm.s32 @p2 $0x1  }
0x17: {  	s4 =	simm.s32 $0x1BF5;
	[smem:$0x3FBA] =	sst s0  }
0x18: {  	s0 =	sld [smem:$0x3F9D];
	_ =	swait.ge [sflag:s4], $0x0  }
0x19: {  	s7 =	sld [smem:$0x3F9E]  }
0x1a: {  	s8 =	sadd.s32 $0xFFFFE003, lr  }
0x1b: {  	s9 =	sadd.s32 $0xFFFFFEF7, lr;
	s5 =	simm.s32 $0xFFFFFFFF;
	p2 =	slt.u32 s8, $0xFFFFF086  }
0x1c: {  	p1 =	slt.u32 s9, $0xF7A;
	s5 =	simm.s32 @!p2 $0x0  }
0x1d: {  	s5 =	simm.s32 @p1 $0x1;
	p0 =	seq.s32 s7, s2  }
0x1e: {  	s7 =	smul.u32 @!p0 $0xF7A, s2;
	p2 =	seq.s32 @!p0 s5, $0x0  }
0x1f: {  	s9 =	smul.u32 $0xF7A, s1;
	s8 =	simm.s32 @!p0 $0x1BF5;
	p2 =	por !p2, p0  }
0x20: {  	[sflag:s8] =	ssyncset.s32 @!p0 $0xFFFFF086;
	s6 =	sadd.s32 @!p0 s3, s7;
	s7 =	simm.s32 @!p0 $0x108  }
0x21: {  	s3 =	sadd.s32 s3, s9;
	s6 =	sadd.s32 @!p0 $0x88, s6;
	s7 =	simm.s32 @p2 $0x1082  }
0x22: {  	[simem:s7], [sflag:s8] =	dma.local @!p0 [hbm:s6], $0xF7A  }
0x23: {  	s9 =	sor.u32 $0xD0000000, s2;
	s6 =	simm.s32 $0x108;
	_ =	swait.ge @!p0 [sflag:s8], $0x0  }
0x24: {  	s3 =	sadd.s32 $0x88, s3;
	s6 =	simm.s32 @!p1 $0x1082;
	[sflag:s4] =	ssyncset.s32 $0xFFFFF086  }
0x25: {  	[simem:s6], [sflag:s4] =	dma.local [hbm:s3], $0xF7A  }
0x26: {  	[smem:$0x3F9E] =	sst s1;
	(tag) =	ssettag s2;
	_ =	strace s9  }
0x27: {  	s1 =	sld [smem:$0x3FAE]  }
0x28: {  	s2 =	sld [smem:$0x3FAF]  }
0x29: {  	s4 =	sld [smem:$0x3FB1]  }
0x2a: {  	p0 =	seq.s32 s5, $0x0;
	s5 =	sld [smem:$0x3FB2]  }
0x2b: {  	s6 =	sld [smem:$0x3FB3]  }
0x2c: {  	s7 =	sld [smem:$0x3FB4]  }
0x2d: {  	s3 =	simm.s32 $0x108;
	s8 =	sld [smem:$0x3FB5]  }
0x2e: {  	s3 =	simm.s32 @!p0 $0x1082;
	s9 =	sld [smem:$0x3FB6]  }
0x2f: {  	lr =	sadd.s32 s0, s3;
	s0 =	sld [smem:$0x3FAD]  }
0x30: {  	s3 =	sld [smem:$0x3FB0]  }
0x31: {  	[smem:$0x3FB9] =	sst s10  }
0x32: {  	s10 =	sld [smem:$0x3FB7];
	_ =	sdelay $0x3  }
0x33: {  	p0 =	seq.s32 s10, $0x1;
	s10 =	sld [smem:$0x3FB9];
	_ =	sdelay $0x3  }
0x34: {  	[smem:$0x3FB9] =	sst s10  }
0x35: {  	s10 =	sld [smem:$0x3FB8];
	_ =	sdelay $0x3  }
0x36: {  	p1 =	seq.s32 s10, $0x1;
	s10 =	sld [smem:$0x3FB9];
	_ =	sdelay $0x3  }
0x37: {  	[smem:$0x3FB9] =	sst s10  }
0x38: {  	s10 =	sld [smem:$0x3FBA]  }
0x39: {  	_ = 	snop;
	(pc) =	sbr.ind lr, $3  }
0x3a: {  	_ = 	snop  }
0x3b: {  	_ = 	snop  }
0x3c: {  	p2 =	seq.s32 s10, $0x1;
	s10 =	sld [smem:$0x3FB9]  }
0x3d: {  	_ =	shalt  }
0x3e: {  	_ =	shalt  }
0x3f: {  	_ =	shalt  }
0x40: {  	_ =	shalt  }
0x41: {  	_ =	shalt  }
0x42: {  	_ =	shalt  }
0x43: {  	_ =	shalt  }
0x44: {  	_ =	shalt  }
0x45: {  	_ =	shalt  }
0x46: {  	_ =	shalt  }
0x47: {  	_ =	shalt  }
0x48: {  	_ =	shalt  }
0x49: {  	_ =	shalt  }
0x4a: {  	_ =	shalt  }
0x4b: {  	_ =	shalt  }
0x4c: {  	_ =	shalt  }
0x4d: {  	_ =	shalt  }
0x4e: {  	_ =	shalt  }
0x4f: {  	_ =	shalt  }
0x50: {  	_ =	shalt  }
0x51: {  	_ =	shalt  }
0x52: {  	_ =	shalt  }
0x53: {  	_ =	shalt  }
0x54: {  	_ =	shalt  }
0x55: {  	_ =	shalt  }
0x56: {  	_ =	shalt  }
0x57: {  	_ =	shalt  }
0x58: {  	_ =	shalt  }
0x59: {  	_ =	shalt  }
0x5a: {  	_ =	shalt  }
0x5b: {  	_ =	shalt  }
0x5c: {  	_ =	shalt  }
0x5d: {  	_ =	shalt  }
0x5e: {  	_ =	shalt  }
0x5f: {  	_ =	shalt  }
0x60: {  	_ =	shalt  }
0x61: {  	_ =	shalt  }
0x62: {  	_ =	shalt  }
0x63: {  	_ =	shalt  }
0x64: {  	_ =	shalt  }
0x65: {  	_ =	shalt  }
0x66: {  	_ =	shalt  }
0x67: {  	_ =	shalt  }
0x68: {  	_ =	shalt  }
0x69: {  	_ =	shalt  }
0x6a: {  	_ =	shalt  }
0x6b: {  	_ =	shalt  }
0x6c: {  	_ =	shalt  }
0x6d: {  	_ =	shalt  }
0x6e: {  	_ =	shalt  }
0x6f: {  	_ =	shalt  }
0x70: {  	_ =	shalt  }
0x71: {  	_ =	shalt  }
0x72: {  	_ =	shalt  }
0x73: {  	_ =	shalt  }
0x74: {  	_ =	shalt  }
0x75: {  	_ =	shalt  }
0x76: {  	_ =	shalt  }
0x77: {  	_ =	shalt  }
0x78: {  	_ =	shalt  }
0x79: {  	_ =	shalt  }
0x7a: {  	_ =	shalt  }
0x7b: {  	_ =	shalt  }
0x7c: {  	_ =	shalt  }
0x7d: {  	_ =	shalt  }
0x7e: {  	_ =	shalt  }
0x7f: {  	_ =	shalt  }
0x80: {  	_ =	shalt  }
0x81: {  	_ =	shalt  }
0x82: {  	_ =	shalt  }
0x83: {  	_ =	shalt  }
0x84: {  	_ =	shalt  }
0x85: {  	_ =	shalt  }
0x86: {  	_ =	shalt  }
0x87: {  	_ =	shalt  }
.Lfunc_end0:
.L_simem_size_0:
called_computation_lowered:
.L_overlay_start_0:
0x88: {  	s0 =	sld [smem:$0x3FD9]  }
0x89: {  	s1 =	sld [smem:$0x3FFE];
	_ =	sdelay $0x3  }
0x8a: {  	s0 =	sadd.s32 s1, s0  }
0x8b: {  	[smem:$0x3FC5] =	sst s0  }
0x8c: {  	_ = 	snop  }
0x8d: {  	s0 =	sld [smem:$0x3FD0];
	_ =	sdelay $0x2  }
0x8e: {  	s13 =	simm.s32 $0xA;
	s2 =	simm.s32 $0x10  }
0x8f: {  	[smem:s2], [sflag:s13] =	dma.local [hbm:s0], $0x1  }
0x90: {  	_ =	swait.eq [sflag:s13], $0x1  }
0x91: {  	[sflag:s13] =	ssyncset.done $0x0  }
0x92: {  	[sflag:s13] =	ssyncadd.s32 $0xFFFFFFFF  }
0x93: {  	s14 =	sld [smem:$0x10];
	(tm) =	ssettm $0x1  }
0x94: {  	s15 =	sld [smem:$0x3FFB];
	_ =	sdelay $0x3  }
0x95: {  	_ =	strace s15  }
0x96: {  	s1 =	sld [smem:$0x3FFC];
	_ =	sdelay $0x3  }
0x97: {  	_ =	strace s1  }
0x98: {  	s1 =	sld [smem:$0x3FFD];
	_ =	sdelay $0x3  }
0x99: {  	_ =	strace s1  }
0x9a: {  	_ =	strace $0x8FFFFFFF  }
0x9b: {  	s16 =	sld [smem:$0x3FDB];
	_ =	sdelay $0x1  }
0x9c: {  	s17 =	simm.s32 $_scs_section_size  }
0x9d: {  	s3 =	simm.s32 $_size__tile_overlayer_lowered;
	s4 =	simm.s32 $_tile_overlayer_lowered  }
0x9e: {  	s20 =	simm.s32 $0x1BFF;
	s19 =	sshll.u32 s4, $0x1;
	s1 =	sadd.s32 s17, s16  }
0x9f: {  	s5 =	simm.s32 $0x0;
	s18 =	sshll.u32 s3, $0x1;
	s3 =	sadd.s32 s19, s1  }
0xa0: {  	[timem:s5], [sflag:s20] =	dma.local [hbm:s3], s18  }
0xa1: {  	_ =	swait.ge [sflag:s20], s18  }
0xa2: {  	s2 =	ssub.s32 $0x0, s18;
	[sflag:s20] =	ssyncset.done $0x0  }
0xa3: {  	[sflag:s20] =	ssyncadd.s32 s2;
	_ =	sdelay $0x1  }
0xa4: {  	s21 =	simm.s32 $0x1B8B  }
0xa5: {  	_ =	swait.ge [sflag:s21], $0x1  }
0xa6: {  	[sflag:s21] =	ssyncset.done $0x0  }
0xa7: {  	s23 =	simm.s32 $0x1B8E;
	s22 =	sld [smem:$0x3FFE];
	[sflag:s21] =	ssyncadd.s32 $0xFFFFFFFF  }
0xa8: {  	s24 =	simm.s32 $execute0_lowered;
	[smem:$0x3FD2] =	sst s23  }
0xa9: {  	s3 =	sshll.u32 s24, $0x1;
	_ =	strace $0x80000046;
	[dreg:$0x1] =	wrdreg $0xFFFFFFFF  }
0xaa: {  	s25 =	simm.s32 $_size_execute0_lowered;
	s1 =	sadd.s32 s1, s3;
	[dreg:$0x0] =	wrdreg $0x0  }
0xab: {  	s3 =	sshll.u32 s25, $0x1;
	[dreg:$0x2] =	wrdreg s1  }
0xac: {  	[dreg:$0x3] =	wrdreg s3  }
0xad: {  	[dreg:$0x4] =	wrdreg $0xC0  }
0xae: {  	_ =	task [dreg:s5], $0x5FFFF  }
0xaf: {  	[dreg:$0x1] =	wrdreg $0xFFFFFFFF  }
0xb0: {  	[dreg:$0x0] =	wrdreg $0x60  }
0xb1: {  	[dreg:$0x2] =	wrdreg s22  }
0xb2: {  	[dreg:$0x3] =	wrdreg s14  }
0xb3: {  	[dreg:$0x4] =	wrdreg $0x9  }
0xb4: {  	_ =	task.clear_ibuf [dreg:s5], $0x5FFFF;
	_ =	strace $0x90000046  }
0xb5: {  	s26 =	simm.s32 $0x9;
	_ =	strace $0x80000048  }
0xb6: {  	_ =	swait.ge [sflag:s26], $0x1  }
0xb7: {  	[sflag:s26] =	ssyncadd.s32 $0xFFFFFFFF  }
0xb8: {  	_ =	strace $0x90000048  }
0xb9: {  	_ =	sfence  }
0xba: {  	s28 =	sld [smem:$0x0];
	_ =	sdelay $0x1  }
0xbb: {  	s29 =	srdreg.scid  }
0xbc: {  	s30 =	sshll.u32 s29, $0xD;
	s31 =	sshrl.u32 s29, $0x2  }
0xbd: {  	s2 =	sand.u32 $0x4000, s30;
	s1 =	sand.u32 $0x1, s29;
	s0 =	sadd.s32 s31, s28  }
0xbe: {  	s1 =	sor.u32 s2, s1;
	s0 =	sshll.u32 s0, $0x11  }
0xbf: {  	s0 =	sor.u32 s0, s1  }
0xc0: {  	s0 =	sadd.s32 $0x8F2B, s0  }
0xc1: {  	[sflag:s0] =	ssyncadd.remote.s32 $0x1  }
0xc2: {  	_ =	sfence.sel $0xFFFF  }
0xc3: {  	[dreg:$0x0] =	wrdreg $0xFFFFFFFF;
	(pc) =	sbr.abs _section_cstart, $3  }
0xc4: {  	[dreg:$0x1] =	wrdreg $0xFFFFFFFF  }
0xc5: {  	_ =	task.clear_ibuf [dreg:s5], $0x2FFFF;
	_ =	strace $0x9FFFFFFF  }
0xc6: {  	(tm) =	ssettm $0x7FFFFFFF  }
0xc7: {  	_ =	shalt  }
tec
execute0_lowered:
.L_overlay_start_1:
0x0: {  	(tag) =	ssettag $0x1  }
0x1: {  	s2 =	rddreg [dreg:$0x0]  }
0x2: {  	s3 =	rddreg [dreg:$0x1]  }
0x3: {  	s0 =	rddreg [dreg:$0x2];
	s1 =	stileid.u32;
	_ =	strace $0x80000047  }
0x4: {  	s5 =	simm.s32 $0x1;
	s6 =	simm.s32 $0x500;
	s8 =	simm.s32 $0x1  }
0x5: {  	s9 =	simm.s32 $0x3;
	s10 =	simm.s32 $0x0;
	s4 =	smul.u32 $0x50, s1  }
0x6: {  	s13 =	simm.s32 $0x0;
	s12 =	simm.s32 $0x0;
	p0 =	slt.u32 s1, $0xA  }
.Ltmp0:
0x7: {  	s6 =	simm.s32 @!p0 $0x0;
	s7 =	ssub.s32 $0x7D0, s4;
	(pc) =	sbr.rel .LBB2_1-.Ltmp0, $4  }
0x8: {  	s8 =	simm.s32 @!p0 $0x0;
	p0 =	sne.s32 s7, s6;
	s7 =	simm.s32 $0x1  }
0x9: {  	[sflag:s5] =	ssyncpa.u1 $0x0;
	s6 =	simm.s32 $0x2;
	s7 =	simm.s32 @!p0 $0x0  }
0xa: {  	s11 =	smov.u32 s4;
	[sflag:s6] =	ssyncpa.u1 $0x0;
	s7 =	sadd.s32 s8, s7  }
0xb: {  	vm0 =	vmmov $0xffff;
	s8 =	sadd.s32 $0x40800, s2;
	[sflag:s9] =	ssyncpa.u1 $0x0;
	s9 =	sadd.s32 $0x1, s7  }
.LBB2_4:
0xc: {  	v2 =	vnsel vm1, $0x0, v2  }
0xd: {  	vm1 =	vgt.s32 v0, $0x0;
	v2 =	vmin.u32 v2, $0x3FFF  }
0xe: {  	v0 =	vnsel vm1, $0x0, v0  }
0xf: {  	v0 =	vmin.u32 v0, $0x3FFF  }
0x10: {  	[tilespmem:s18], [sflag:$0x1] =	stream.indirect_vreg.gather [hbm4b:s2+s10], $0x1, v1, vm0, $0x4038;
	[tilespmem:$0x140] =	vst v63  }
0x11: {  	(ifvalue) =	ssetifvalue $0x7FFFFFFF  }
0x12: {  	[tilespmem:s15], [sflag:$0x1] =	stream.indirect_vreg.gather [hbm4b:s2+s10], $0x1, v2, vm0, $0x4038;
	[tilespmem:$0x140] =	vst v63  }
0x13: {  	s29 =	sadd.s32 $0x10, s15;
	(ifvalue) =	ssetifvalue $0x7FFFFFFF  }
0x14: {  	[tilespmem:s29], [sflag:$0x1] =	stream.indirect_vreg.gather [hbm4b:s2+s10], $0x1, v0, vm0, $0x4038;
	[tilespmem:$0x140] =	vst v63  }
0x15: {  	_ =	swait.ge [sflag:s5], $0x50  }
0x16: {  	s30 =	sshrl.u32 s13, $0x3;
	[sflag:s5] =	ssyncset.done $0x0  }
0x17: {  	s31 =	sand.u32 $0x7, s13;
	s15 =	sadd.s32 s8, s30;
	[sflag:s5] =	ssyncadd.s32 $0xFFFFFFB0  }
0x18: {  	[hbm4b:s15+s31] =	stream.linear.scatter [tilespmem:s14], [sflag:$0x3], $0x50, $0x38;
	[tilespmem:$0x140] =	vst v63  }
.LBB2_5:
0x19: {  	s15 =	sadd.s32 $0x500, s11  }
0x1a: {  	p1 =	sgt.s32 s15, $0x7CF  }
0x1b: {  	s15 =	smov.u32 @p1 s4;
	p1 =	sne.s32 s12, s9  }
.Ltmp1:
0x1c: {  	p0 =	slt.u32 s12, $0x2;
	(pc) =	sbr.rel @!p1 .LBB2_6-.Ltmp1, $4  }
0x1d: {  	s14 =	simm.s32 @!p0 $0x3  }
0x1e: {  	_ =	swait.ge @!p0 [sflag:s14], $0x50  }
0x1f: {  	s16 =	sadd.s32 $0x1, s12;
	s13 =	smov.u32 s11;
	[sflag:s14] =	ssyncset.done @!p0 $0x0  }
0x20: {  	s12 =	smov.u32 s16;
	s11 =	smov.u32 s15;
	[sflag:s14] =	ssyncadd.s32 @!p0 $0xFFFFFFB0  }
.LBB2_1:
0x21: {  	p0 =	sge.u32 s12, s7  }
0x22: {  	s14 =	sxor.u32 @!p0 $0x1, s12  }
0x23: {  	s14 =	smul.u32 @!p0 $0x140, s14  }
0x24: {  	s31 =	sadd.s32 $0xFFFFFFFF, s12;
	s15 =	sshrl.u32 @!p0 s11, $0x3  }
0x25: {  	s16 =	sand.u32 @!p0 $0x7, s11;
	s15 =	sadd.s32 @!p0 s3, s15;
	s14 =	sshra.s32 @!p0 s14, $0x2  }
0x26: {  	[tilespmem:s14], [sflag:$0x2] =	stream.linear.gather @!p0 [hbm4b:s15+s16], $0x50, $0x38;
	[tilespmem:$0x140] =	vst v63  }
0x27: {  	p0 =	sge.u32 s31, s7  }
.Ltmp2:
0x28: {  	_ = 	snop;
	(pc) =	sbr.rel @p0 .LBB2_5-.Ltmp2, $1  }
0x29: {  	_ =	sdelay $0x3  }
0x2a: {  	s14 =	sand.u32 $0x1, s12  }
0x2b: {  	_ =	swait.ge [sflag:s6], $0x50;
	p0 =	seq.s32 s14, $0x1;
	s14 =	simm.s32 $0x50  }
0x2c: {  	[sflag:s6] =	ssyncset.done $0x0;
	s14 =	simm.s32 @!p0 $0x0  }
0x2d: {  	[sflag:s6] =	ssyncadd.s32 $0xFFFFFFB0;
	(ifvalue) =	ssetifvalue $0x7FFFFFFF;
	v0 =	vld.msk [tilespmem:s14+$0x0 ss:$0x1], $0xffff;
	_ =	sdelay $0x4  }
0x2e: {  	s15 =	sadd.s32 $0x10, s14;
	vm1 =	vgt.s32 v0, $0x0  }
0x2f: {  	v2 =	vld.msk [tilespmem:s15+$0x0 ss:$0x1], $0xffff;
	v1 =	vnsel vm1, $0x0, v0  }
0x30: {  	v1 =	vmin.u32 v1, $0x3FFF;
	_ =	sdelay $0x2  }
0x31: {  	s17 =	simm.s32 $0x20;
	s14 =	sor.u32 $0xA0, s14;
	s16 =	sadd.s32 $0x10, s15  }
0x32: {  	s15 =	sadd.s32 $0x10, s14;
	s18 =	smov.u32 s14;
	v0 =	vld.msk [tilespmem:s16+$0x0 ss:$0x1], $0xffff;
	vm1 =	vgt.s32 v2, $0x0;
	(ifvalue) =	ssetifvalue $0x7FFFFFFF  }
.LBB2_3:
0x33: {  	[tilespmem:s18], [sflag:$0x1] =	stream.indirect_vreg.gather [hbm4b:s2+s10], $0x1, v1, vm0, $0x4038;
	[tilespmem:$0x140] =	vst v63  }
0x34: {  	s17 =	sadd.s32 $0x10, s17  }
0x35: {  	v2 =	vnsel vm1, $0x0, v2;
	p0 =	slt.u32 s17, $0x40  }
.Ltmp3:
0x36: {  	s18 =	smov.u32 s15;
	v1 =	vmin.u32 v2, $0x3FFF;
	(pc) =	sbr.rel @p0 .LBB2_3-.Ltmp3, $3  }
0x37: {  	_ =	sdelay $0x1  }
0x38: {  	s16 =	sadd.s32 $0x10, s16  }
0x39: {  	vm1 =	vgt.s32 v0, $0x0;
	s15 =	sadd.s32 $0x10, s15;
	v2 =	vmov v0;
	(ifvalue) =	ssetifvalue $0x7FFFFFFF;
	v0 =	vld.msk [tilespmem:s16+$0x0 ss:$0x1], $0xffff  }
.Ltmp4:
0x3a: {  	_ = 	snop;
	(pc) =	sbr.rel .LBB2_4-.Ltmp4, $1  }
0x3b: {  	_ =	sdelay $0x3  }
.LBB2_6:
0x3c: {  	_ =	sfence.sel $0x180000  }
0x3d: {  	s2 =	simm.s32 $0x2;
	[bflag:$0x0] =	sbarrier.arrive $0xFFFF  }
0x3e: {  	s30 =	simm.s32 $0x3;
	[sflag:s2] =	ssyncpa.u1 $0x1  }
0x3f: {  	s31 =	simm.s32 $0x1;
	[sflag:s30] =	ssyncpa.u1 $0x1  }
0x40: {  	[sflag:s31] =	ssyncpa.u1 $0x1  }
0x41: {  	p0 =	sne.s32 s1, $0x0;
	_ =	strace $0x90000047  }
0x42: {  	s0 =	sadd.s32 @!p0 $0x100000, s0;
	[bflag:$0x2] =	sbarrier.arrive $0xFFFF  }
0x43: {  	[sflag:s0] =	ssyncadd.tile.s32 @!p0 $0x1;
	_ =	shalt  }
.Lfunc_end2:
_tile_overlayer_lowered:
.L_overlay_start_2:
0x44: {  	(tag) =	ssettag $0x2  }
0x45: {  	s0 =	rddreg [dreg:$0x0];
	s2 =	stileid.u32  }
0x46: {  	s1 =	rddreg [dreg:$0x1];
	p0 =	sne.s32 s2, $0x0  }
0x47: {  	s3 =	rddreg [dreg:$0x2];
	[bflag:$0x3] =	sbarrier.arrive $0xFFFF;
	s2 =	simm.s32 @!p0 $0x1C01  }
0x48: {  	[timem:s3], [sflag:s2] =	dma.local @!p0 [hbm:s0], s1  }
0x49: {  	s0 =	simm.s32 @!p0 $0x1  }
0x4a: {  	_ =	swait.ge @!p0 [sflag:s0], s1  }
0x4b: {  	s1 =	ssub.s32 @!p0 $0x0, s1;
	[sflag:s0] =	ssyncset.done @!p0 $0x0  }
0x4c: {  	[sflag:s0] =	ssyncadd.s32 @!p0 s1  }
0x4d: {  	[bflag:$0x3] =	sbarrier.arrive $0xFFFF  }
0x4e: {  	_ =	shalt  }

</sc_bundles>
